<compile_context>
chip_gen: v7x
topology: tpu7x:2x2x1
jax: 0.10.2.dev20260603
libtpu: 0.0.44.dev20260713+nightly
codegen_flags: <defaults>
</compile_context>

<pallas_src>
import functools

import jax
import jax.numpy as jnp
from jax import lax
from jax.experimental import pallas as pl
from jax.experimental.pallas import tpu as pltpu
from jax.experimental.pallas import tpu_sc as plsc

N = 10000
K = 16
D = 128
CHUNK = 400
NCHUNK = N // CHUNK
CPT = D // 32

_MESH = plsc.VectorSubcoreMesh(
    core_axis_name="c", subcore_axis_name="s", num_cores=2, num_subcores=16
)


@functools.partial(
    pl.kernel,
    out_type=jax.ShapeDtypeStruct((D * N,), jnp.int32),
    mesh=_MESH,
    compiler_params=pltpu.CompilerParams(needs_layout_passes=False),
    scratch_types=[
        pltpu.VMEM((CPT * N,), jnp.float32),
        pltpu.VMEM((CPT * N,), jnp.int32),
        pltpu.VMEM((N,), jnp.int32),
        pltpu.VMEM((CHUNK * K,), jnp.int32),
        pltpu.VMEM((CHUNK * K,), jnp.float32),
    ],
)
def _vector_scan(ft_hbm, tgt_hbm, nbr_hbm, a_hbm, out_hbm,
                 f_v, o_v, tgt_v, nbr_v, a_v):
    wid = lax.axis_index("s") * 2 + lax.axis_index("c")
    base = wid * CPT * N
    lane0 = lax.iota(jnp.int32, 16) == 0
    pltpu.sync_copy(ft_hbm.at[pl.ds(base, CPT * N)], f_v)
    pltpu.sync_copy(tgt_hbm, tgt_v)

    def chunk_body(c, carry):
        pltpu.sync_copy(nbr_hbm.at[pl.ds(c * CHUNK * K, CHUNK * K)], nbr_v)
        pltpu.sync_copy(a_hbm.at[pl.ds(c * CHUNK * K, CHUNK * K)], a_v)

        def step(i, carry2):
            g = c * CHUNK + i
            gvec = jnp.full((K,), g, jnp.int32)
            tvec = plsc.load_gather(tgt_v, [gvec])
            nb = nbr_v[pl.ds(i * K, K)]
            av = a_v[pl.ds(i * K, K)]
            for col in range(CPT):
                vals = plsc.load_gather(f_v, [nb + col * N])
                u = jnp.sum(av * vals)
                fcur = plsc.load_gather(f_v, [tvec + col * N])
                nv = fcur + u
                plsc.store_scatter(f_v, [tvec + col * N], nv, mask=lane0)
                plsc.store_scatter(o_v, [gvec + col * N],
                                   nv.astype(jnp.int32), mask=lane0)
            return carry2

        lax.fori_loop(0, CHUNK, step, 0, unroll=False)
        return carry

    lax.fori_loop(0, NCHUNK, chunk_body, 0, unroll=False)
    pltpu.sync_copy(o_v, out_hbm.at[pl.ds(base, CPT * N)])


CHUNK_TC = 1000
NCHUNK_TC = N // CHUNK_TC


def _tc_scan_body(edge_sm, feats_ref, wq_ref, wk_ref, bq_sm, bk_sm,
                  out_ref, a_ref, f_ref):
    @pl.when(pl.program_id(0) == 0)
    def _():
        f_ref[...] = feats_ref[...]

    bq = bq_sm[0]
    bk = bk_sm[0]
    wq = wq_ref[...]
    wkb = wk_ref[...]

    def step(i, carry):
        t = edge_sm[0, i, 0]
        fn = jnp.concatenate(
            [f_ref[pl.ds(edge_sm[0, i, 1 + j], 1), :] for j in range(K)],
            axis=0)
        fi = f_ref[pl.ds(t, 1), :]
        ei = jnp.sum(fi * wq, axis=1, keepdims=True) + bq
        ej = lax.dot_general(
            fn.astype(jnp.bfloat16), wkb,
            (((1,), (1,)), ((), ())),
            preferred_element_type=jnp.float32)[:, 0:1] + bk
        e = ei * ej
        m = jnp.max(e, axis=0, keepdims=True)
        p = jnp.exp(e - m)
        a = p / jnp.sum(p, axis=0, keepdims=True)
        upd = jnp.sum(a * fn, axis=0, keepdims=True)
        nr = fi + upd
        f_ref[pl.ds(t, 1), :] = nr
        out_ref[pl.ds(i, 1), :] = nr.astype(jnp.int32)
        a_ref[pl.ds(i * K, K), :] = a
        return carry

    lax.fori_loop(0, CHUNK_TC, step, 0, unroll=False)


def _tc_scan(feats, edge, w_q_w, w_q_b, w_k_w, w_k_b):
    wk16 = jnp.tile(w_k_w.astype(jnp.bfloat16), (8, 1))
    return pl.pallas_call(
        _tc_scan_body,
        grid=(NCHUNK_TC,),
        in_specs=[
            pl.BlockSpec((1, CHUNK_TC, 17), lambda i: (i, 0, 0),
                         memory_space=pltpu.SMEM),
            pl.BlockSpec((N, D), lambda i: (0, 0)),
            pl.BlockSpec((1, D), lambda i: (0, 0)),
            pl.BlockSpec((8, D), lambda i: (0, 0)),
            pl.BlockSpec((1,), lambda i: (0,), memory_space=pltpu.SMEM),
            pl.BlockSpec((1,), lambda i: (0,), memory_space=pltpu.SMEM),
        ],
        out_specs=[
            pl.BlockSpec((CHUNK_TC, D), lambda i: (i, 0)),
            pl.BlockSpec((CHUNK_TC * K, 1), lambda i: (i, 0)),
        ],
        out_shape=[
            jax.ShapeDtypeStruct((N, D), jnp.int32),
            jax.ShapeDtypeStruct((N * K, 1), jnp.float32),
        ],
        scratch_shapes=[
            pltpu.VMEM((N, D), jnp.float32),
        ],
    )(edge.reshape(NCHUNK_TC, CHUNK_TC, 17), feats, w_q_w, wk16, w_q_b, w_k_b)


def kernel(feats, edge_dict, w_q_w, w_q_b, w_k_w, w_k_b):
    edge = edge_dict.astype(jnp.int32)
    _, a_col = _tc_scan(feats, edge, w_q_w, w_q_b, w_k_w, w_k_b)
    tgt = edge[:, 0]
    nbr_flat = edge[:, 1:].reshape(N * K)
    ft = feats.T.reshape(D * N)
    out_flat = _vector_scan(ft, tgt, nbr_flat, a_col.reshape(N * K))
    return out_flat.reshape(D, N).T

# --- scband reference (transcript-rebuilt; emitter-appended) ---
"""Pipeline reference for scband-attention-23648089932275 (READ-ONLY COPY).

The authoritative reference and input builder live on the scoring server;
editing this copy changes nothing except your own understanding.
"""

import jax, jax.numpy as jnp
import numpy as np

N, K1, D = 10000, 17, 128

def setup_inputs(seed: int = 0) -> dict:
    key = jax.random.key(seed)
    ks = jax.random.split(key, 6)
    feats = jax.random.normal(ks[0], (N, D), dtype=jnp.float32)
    edge_dict = jax.random.randint(ks[1], (N, K1), 0, N)
    w_q_w = jax.random.normal(ks[2], (1, D), dtype=jnp.float32) * 0.05
    w_q_b = jax.random.normal(ks[3], (1,), dtype=jnp.float32) * 0.05
    w_k_w = jax.random.normal(ks[4], (1, D), dtype=jnp.float32) * 0.05
    w_k_b = jax.random.normal(ks[5], (1,), dtype=jnp.float32) * 0.05
    return {"feats": feats, "edge_dict": edge_dict, "w_q_w": w_q_w, "w_q_b": w_q_b, "w_k_w": w_k_w, "w_k_b": w_k_b}

def reference(feats, edge_dict, w_q_w, w_q_b, w_k_w, w_k_b):
    # Faithful translation: sequential per-row attention with in-place
    # feats update (torch add_) modeled via lax.scan over adjacency rows.
    def step(f, row):
        tgt = row[0]
        nbrs = row[1:]  # np.delete(edge_array, 0) in the original
        fi = f[tgt]                                   # [D]
        ei = (fi @ w_q_w.T + w_q_b).reshape(1, 1)     # w_q(feats[i]).unsqueeze(0)
        fn = f[nbrs]                                  # [K, D] gather
        ej = fn @ w_k_w.T + w_k_b                     # [K, 1]
        eij = ei * ej                                 # [K, 1]
        aij = jax.nn.softmax(eij, axis=0)             # Softmax(dim=0)
        upd = jnp.sum(aij * fn, axis=0)               # [D]
        f = f.at[tgt].add(upd)                        # feats[tgt].add_(...)
        return f, f[tgt]
    _, edge_feats = jax.lax.scan(step, feats, edge_dict)
    # original returns torch.LongTensor(edge_feats): integer truncation
    return edge_feats.astype(jnp.int32)

if __name__ == "__main__":
    import jax
    _d = setup_inputs()
    print(jax.jit(kernel)(*tuple(_d.values())))

</pallas_src>

<mosaic_0001>
#map = affine_map<(d0, d1) -> (0)>
module attributes {stable_mosaic.version = 14 : i64} {
  func.func @_vector_scan(%arg0: i32, %arg1: i32, %arg2: memref<1280000xf32, #tpu.memory_space<hbm>>, %arg3: memref<10000xi32, #tpu.memory_space<hbm>>, %arg4: memref<160000xi32, #tpu.memory_space<hbm>>, %arg5: memref<160000xf32, #tpu.memory_space<hbm>>, %arg6: memref<1280000xi32, #tpu.memory_space<hbm>>, %arg7: memref<40000xf32, #tpu.memory_space<vmem>>, %arg8: memref<40000xi32, #tpu.memory_space<vmem>>, %arg9: memref<10000xi32, #tpu.memory_space<vmem>>, %arg10: memref<6400xi32, #tpu.memory_space<vmem>>, %arg11: memref<6400xf32, #tpu.memory_space<vmem>>) attributes {dimension_semantics = [#tpu.dimension_semantics<core_parallel>, #tpu.dimension_semantics<subcore_parallel>], iteration_bounds = array<i64: 2, 16>, scalar_prefetch = 0 : i64, scratch_operands = 5 : i64, tpu.core_type = #tpu.core_type<sc_vector_subcore>, window_params = [{transform_indices = #map}, {transform_indices = #map}, {transform_indices = #map}, {transform_indices = #map}, {transform_indices = #map}]} {
    %mul3A = arith.constant 2 : i32
    %mul3A_0 = arith.muli %arg1, %mul3A : i32
    %add3A = arith.addi %mul3A_0, %arg0 : i32
    %mul3A_1 = arith.constant 4 : i32
    %mul3A_2 = arith.muli %add3A, %mul3A_1 : i32
    %mul3A_3 = arith.constant 10000 : i32
    %mul3A_4 = arith.muli %mul3A_2, %mul3A_3 : i32
    %iota3A = tpu.iota {dimensions = array<i32: 0>} : vector<16xi32>
    %eq3A = arith.constant 0 : i32
    %eq3A_5 = vector.broadcast %eq3A : i32 to vector<16xi32>
    %eq3A_6 = arith.cmpi eq, %iota3A, %eq3A_5 : vector<16xi32>
    "tpu.region"() ({
      %run_scoped3A = tpu.sem_alloc : memref<!tpu.dma_semaphore, #tpu.memory_space<semaphore_mem>>
      %dma_start3A = tpu.memref_slice %arg2[%mul3A_4] : memref<1280000xf32, #tpu.memory_space<hbm>> -> memref<40000xf32, #tpu.memory_space<hbm>>
      %dma_start3A_12 = tpu.memref_slice %arg2[%mul3A_4] : memref<1280000xf32, #tpu.memory_space<hbm>> -> memref<40000xf32, #tpu.memory_space<hbm>>
      tpu.enqueue_dma source(%dma_start3A_12 : memref<40000xf32, #tpu.memory_space<hbm>>) target(%arg7 : memref<40000xf32, #tpu.memory_space<vmem>>) target_semaphore(%run_scoped3A : memref<!tpu.dma_semaphore, #tpu.memory_space<semaphore_mem>>)
      %dma_wait3A = tpu.memref_slice %arg2[%mul3A_4] : memref<1280000xf32, #tpu.memory_space<hbm>> -> memref<40000xf32, #tpu.memory_space<hbm>>
      %dma_wait3A_13 = tpu.memref_slice %arg2[%mul3A_4] : memref<1280000xf32, #tpu.memory_space<hbm>> -> memref<40000xf32, #tpu.memory_space<hbm>>
      tpu.wait_dma2 semaphore(%run_scoped3A : memref<!tpu.dma_semaphore, #tpu.memory_space<semaphore_mem>>) src(%dma_wait3A_13 : memref<40000xf32, #tpu.memory_space<hbm>>) dst(%arg7 : memref<40000xf32, #tpu.memory_space<vmem>>)
      tpu.yield
    }) : () -> ()
    "tpu.region"() ({
      %run_scoped3A = tpu.sem_alloc : memref<!tpu.dma_semaphore, #tpu.memory_space<semaphore_mem>>
      tpu.enqueue_dma source(%arg3 : memref<10000xi32, #tpu.memory_space<hbm>>) target(%arg9 : memref<10000xi32, #tpu.memory_space<vmem>>) target_semaphore(%run_scoped3A : memref<!tpu.dma_semaphore, #tpu.memory_space<semaphore_mem>>)
      tpu.wait_dma2 semaphore(%run_scoped3A : memref<!tpu.dma_semaphore, #tpu.memory_space<semaphore_mem>>) src(%arg3 : memref<10000xi32, #tpu.memory_space<hbm>>) dst(%arg9 : memref<10000xi32, #tpu.memory_space<vmem>>)
      tpu.yield
    }) : () -> ()
    %scan3A = arith.constant 0 : i32
    %scan3A_7 = arith.constant 0 : i32
    %scan3A_8 = arith.constant 25 : i32
    %scan3A_9 = arith.addi %scan3A_7, %scan3A_8 : i32
    %scan3A_10 = arith.constant 1 : i32
    scf.for %scan3A_12 = %scan3A_7 to %scan3A_9 step %scan3A_10  : i32 {
      %mul3A_13 = arith.constant 400 : i32
      %mul3A_14 = arith.muli %scan3A_12, %mul3A_13 : i32
      %mul3A_15 = arith.constant 16 : i32
      %mul3A_16 = arith.muli %mul3A_14, %mul3A_15 : i32
      "tpu.region"() ({
        %run_scoped3A = tpu.sem_alloc : memref<!tpu.dma_semaphore, #tpu.memory_space<semaphore_mem>>
        %dma_start3A = tpu.memref_slice %arg4[%mul3A_16] : memref<160000xi32, #tpu.memory_space<hbm>> -> memref<6400xi32, #tpu.memory_space<hbm>>
        %dma_start3A_27 = tpu.memref_slice %arg4[%mul3A_16] : memref<160000xi32, #tpu.memory_space<hbm>> -> memref<6400xi32, #tpu.memory_space<hbm>>
        tpu.enqueue_dma source(%dma_start3A_27 : memref<6400xi32, #tpu.memory_space<hbm>>) target(%arg10 : memref<6400xi32, #tpu.memory_space<vmem>>) target_semaphore(%run_scoped3A : memref<!tpu.dma_semaphore, #tpu.memory_space<semaphore_mem>>)
        %dma_wait3A = tpu.memref_slice %arg4[%mul3A_16] : memref<160000xi32, #tpu.memory_space<hbm>> -> memref<6400xi32, #tpu.memory_space<hbm>>
        %dma_wait3A_28 = tpu.memref_slice %arg4[%mul3A_16] : memref<160000xi32, #tpu.memory_space<hbm>> -> memref<6400xi32, #tpu.memory_space<hbm>>
        tpu.wait_dma2 semaphore(%run_scoped3A : memref<!tpu.dma_semaphore, #tpu.memory_space<semaphore_mem>>) src(%dma_wait3A_28 : memref<6400xi32, #tpu.memory_space<hbm>>) dst(%arg10 : memref<6400xi32, #tpu.memory_space<vmem>>)
        tpu.yield
      }) : () -> ()
      %mul3A_17 = arith.constant 400 : i32
      %mul3A_18 = arith.muli %scan3A_12, %mul3A_17 : i32
      %mul3A_19 = arith.constant 16 : i32
      %mul3A_20 = arith.muli %mul3A_18, %mul3A_19 : i32
      "tpu.region"() ({
        %run_scoped3A = tpu.sem_alloc : memref<!tpu.dma_semaphore, #tpu.memory_space<semaphore_mem>>
        %dma_start3A = tpu.memref_slice %arg5[%mul3A_20] : memref<160000xf32, #tpu.memory_space<hbm>> -> memref<6400xf32, #tpu.memory_space<hbm>>
        %dma_start3A_27 = tpu.memref_slice %arg5[%mul3A_20] : memref<160000xf32, #tpu.memory_space<hbm>> -> memref<6400xf32, #tpu.memory_space<hbm>>
        tpu.enqueue_dma source(%dma_start3A_27 : memref<6400xf32, #tpu.memory_space<hbm>>) target(%arg11 : memref<6400xf32, #tpu.memory_space<vmem>>) target_semaphore(%run_scoped3A : memref<!tpu.dma_semaphore, #tpu.memory_space<semaphore_mem>>)
        %dma_wait3A = tpu.memref_slice %arg5[%mul3A_20] : memref<160000xf32, #tpu.memory_space<hbm>> -> memref<6400xf32, #tpu.memory_space<hbm>>
        %dma_wait3A_28 = tpu.memref_slice %arg5[%mul3A_20] : memref<160000xf32, #tpu.memory_space<hbm>> -> memref<6400xf32, #tpu.memory_space<hbm>>
        tpu.wait_dma2 semaphore(%run_scoped3A : memref<!tpu.dma_semaphore, #tpu.memory_space<semaphore_mem>>) src(%dma_wait3A_28 : memref<6400xf32, #tpu.memory_space<hbm>>) dst(%arg11 : memref<6400xf32, #tpu.memory_space<vmem>>)
        tpu.yield
      }) : () -> ()
      %scan3A_21 = arith.constant 0 : i32
      %scan3A_22 = arith.constant 0 : i32
      %scan3A_23 = arith.constant 400 : i32
      %scan3A_24 = arith.addi %scan3A_22, %scan3A_23 : i32
      %scan3A_25 = arith.constant 1 : i32
      scf.for %scan3A_27 = %scan3A_22 to %scan3A_24 step %scan3A_25  : i32 {
        %mul3A_28 = arith.constant 400 : i32
        %mul3A_29 = arith.muli %scan3A_12, %mul3A_28 : i32
        %add3A_30 = arith.addi %mul3A_29, %scan3A_27 : i32
        %broadcast_in_dim3A = vector.broadcast %add3A_30 : i32 to vector<16xi32>
        %gather3A = tpu.vector_load_idx %arg9[%broadcast_in_dim3A] : memref<10000xi32, #tpu.memory_space<vmem>>[vector<16xi32>], vector<16xi32>,
        %mul3A_31 = arith.constant 16 : i32
        %mul3A_32 = arith.muli %scan3A_27, %mul3A_31 : i32
        %get3A = arith.index_cast %mul3A_32 : i32 to index
        %get3A_33 = tpu.vector_load %arg10[%get3A] {strides = array<i32>} : memref<6400xi32, #tpu.memory_space<vmem>>, vector<16xi32>,
        %mul3A_34 = arith.constant 16 : i32
        %mul3A_35 = arith.muli %scan3A_27, %mul3A_34 : i32
        %get3A_36 = arith.index_cast %mul3A_35 : i32 to index
        %get3A_37 = tpu.vector_load %arg11[%get3A_36] {strides = array<i32>} : memref<6400xf32, #tpu.memory_space<vmem>>, vector<16xf32>,
        %add3A_38 = arith.constant 0 : i32
        %add3A_39 = vector.broadcast %add3A_38 : i32 to vector<16xi32>
        %add3A_40 = arith.addi %get3A_33, %add3A_39 : vector<16xi32>
        %gather3A_41 = tpu.vector_load_idx %arg7[%add3A_40] : memref<40000xf32, #tpu.memory_space<vmem>>[vector<16xi32>], vector<16xf32>,
        %mul3A_42 = arith.mulf %get3A_37, %gather3A_41 : vector<16xf32>
        %reduce_sum3A = arith.constant true
        %reduce_sum3A_43 = vector.broadcast %reduce_sum3A : i1 to vector<16xi1>
        %reduce_sum3A_44 = tpu.scan <sum>, %mul3A_42 masked %reduce_sum3A_43 : vector<16xf32>, vector<16xi1> -> vector<16xf32>
        %reduce_sum3A_45 = vector.extract %reduce_sum3A_44[15] : f32 from vector<16xf32>
        %add3A_46 = arith.constant 0 : i32
        %add3A_47 = vector.broadcast %add3A_46 : i32 to vector<16xi32>
        %add3A_48 = arith.addi %gather3A, %add3A_47 : vector<16xi32>
        %gather3A_49 = tpu.vector_load_idx %arg7[%add3A_48] : memref<40000xf32, #tpu.memory_space<vmem>>[vector<16xi32>], vector<16xf32>,
        %add3A_50 = vector.broadcast %reduce_sum3A_45 : f32 to vector<16xf32>
        %add3A_51 = arith.addf %gather3A_49, %add3A_50 : vector<16xf32>
        %add3A_52 = arith.constant 0 : i32
        %add3A_53 = vector.broadcast %add3A_52 : i32 to vector<16xi32>
        %add3A_54 = arith.addi %gather3A, %add3A_53 : vector<16xi32>
        tpu.vector_store_idx %arg7[%add3A_54], %add3A_51 masked %eq3A_6 : memref<40000xf32, #tpu.memory_space<vmem>>[vector<16xi32>], vector<16xf32>, vector<16xi1>
        %add3A_55 = arith.constant 0 : i32
        %add3A_56 = vector.broadcast %add3A_55 : i32 to vector<16xi32>
        %add3A_57 = arith.addi %broadcast_in_dim3A, %add3A_56 : vector<16xi32>
        %convert_element_type3A = arith.fptosi %add3A_51 : vector<16xf32> to vector<16xi32>
        tpu.vector_store_idx %arg8[%add3A_57], %convert_element_type3A masked %eq3A_6 : memref<40000xi32, #tpu.memory_space<vmem>>[vector<16xi32>], vector<16xi32>, vector<16xi1>
        %add3A_58 = arith.constant 10000 : i32
        %add3A_59 = vector.broadcast %add3A_58 : i32 to vector<16xi32>
        %add3A_60 = arith.addi %get3A_33, %add3A_59 : vector<16xi32>
        %gather3A_61 = tpu.vector_load_idx %arg7[%add3A_60] : memref<40000xf32, #tpu.memory_space<vmem>>[vector<16xi32>], vector<16xf32>,
        %mul3A_62 = arith.mulf %get3A_37, %gather3A_61 : vector<16xf32>
        %reduce_sum3A_63 = arith.constant true
        %reduce_sum3A_64 = vector.broadcast %reduce_sum3A_63 : i1 to vector<16xi1>
        %reduce_sum3A_65 = tpu.scan <sum>, %mul3A_62 masked %reduce_sum3A_64 : vector<16xf32>, vector<16xi1> -> vector<16xf32>
        %reduce_sum3A_66 = vector.extract %reduce_sum3A_65[15] : f32 from vector<16xf32>
        %add3A_67 = arith.constant 10000 : i32
        %add3A_68 = vector.broadcast %add3A_67 : i32 to vector<16xi32>
        %add3A_69 = arith.addi %gather3A, %add3A_68 : vector<16xi32>
        %gather3A_70 = tpu.vector_load_idx %arg7[%add3A_69] : memref<40000xf32, #tpu.memory_space<vmem>>[vector<16xi32>], vector<16xf32>,
        %add3A_71 = vector.broadcast %reduce_sum3A_66 : f32 to vector<16xf32>
        %add3A_72 = arith.addf %gather3A_70, %add3A_71 : vector<16xf32>
        %add3A_73 = arith.constant 10000 : i32
        %add3A_74 = vector.broadcast %add3A_73 : i32 to vector<16xi32>
        %add3A_75 = arith.addi %gather3A, %add3A_74 : vector<16xi32>
        tpu.vector_store_idx %arg7[%add3A_75], %add3A_72 masked %eq3A_6 : memref<40000xf32, #tpu.memory_space<vmem>>[vector<16xi32>], vector<16xf32>, vector<16xi1>
        %add3A_76 = arith.constant 10000 : i32
        %add3A_77 = vector.broadcast %add3A_76 : i32 to vector<16xi32>
        %add3A_78 = arith.addi %broadcast_in_dim3A, %add3A_77 : vector<16xi32>
        %convert_element_type3A_79 = arith.fptosi %add3A_72 : vector<16xf32> to vector<16xi32>
        tpu.vector_store_idx %arg8[%add3A_78], %convert_element_type3A_79 masked %eq3A_6 : memref<40000xi32, #tpu.memory_space<vmem>>[vector<16xi32>], vector<16xi32>, vector<16xi1>
        %add3A_80 = arith.constant 20000 : i32
        %add3A_81 = vector.broadcast %add3A_80 : i32 to vector<16xi32>
        %add3A_82 = arith.addi %get3A_33, %add3A_81 : vector<16xi32>
        %gather3A_83 = tpu.vector_load_idx %arg7[%add3A_82] : memref<40000xf32, #tpu.memory_space<vmem>>[vector<16xi32>], vector<16xf32>,
        %mul3A_84 = arith.mulf %get3A_37, %gather3A_83 : vector<16xf32>
        %reduce_sum3A_85 = arith.constant true
        %reduce_sum3A_86 = vector.broadcast %reduce_sum3A_85 : i1 to vector<16xi1>
        %reduce_sum3A_87 = tpu.scan <sum>, %mul3A_84 masked %reduce_sum3A_86 : vector<16xf32>, vector<16xi1> -> vector<16xf32>
        %reduce_sum3A_88 = vector.extract %reduce_sum3A_87[15] : f32 from vector<16xf32>
        %add3A_89 = arith.constant 20000 : i32
        %add3A_90 = vector.broadcast %add3A_89 : i32 to vector<16xi32>
        %add3A_91 = arith.addi %gather3A, %add3A_90 : vector<16xi32>
        %gather3A_92 = tpu.vector_load_idx %arg7[%add3A_91] : memref<40000xf32, #tpu.memory_space<vmem>>[vector<16xi32>], vector<16xf32>,
        %add3A_93 = vector.broadcast %reduce_sum3A_88 : f32 to vector<16xf32>
        %add3A_94 = arith.addf %gather3A_92, %add3A_93 : vector<16xf32>
        %add3A_95 = arith.constant 20000 : i32
        %add3A_96 = vector.broadcast %add3A_95 : i32 to vector<16xi32>
        %add3A_97 = arith.addi %gather3A, %add3A_96 : vector<16xi32>
        tpu.vector_store_idx %arg7[%add3A_97], %add3A_94 masked %eq3A_6 : memref<40000xf32, #tpu.memory_space<vmem>>[vector<16xi32>], vector<16xf32>, vector<16xi1>
        %add3A_98 = arith.constant 20000 : i32
        %add3A_99 = vector.broadcast %add3A_98 : i32 to vector<16xi32>
        %add3A_100 = arith.addi %broadcast_in_dim3A, %add3A_99 : vector<16xi32>
        %convert_element_type3A_101 = arith.fptosi %add3A_94 : vector<16xf32> to vector<16xi32>
        tpu.vector_store_idx %arg8[%add3A_100], %convert_element_type3A_101 masked %eq3A_6 : memref<40000xi32, #tpu.memory_space<vmem>>[vector<16xi32>], vector<16xi32>, vector<16xi1>
        %add3A_102 = arith.constant 30000 : i32
        %add3A_103 = vector.broadcast %add3A_102 : i32 to vector<16xi32>
        %add3A_104 = arith.addi %get3A_33, %add3A_103 : vector<16xi32>
        %gather3A_105 = tpu.vector_load_idx %arg7[%add3A_104] : memref<40000xf32, #tpu.memory_space<vmem>>[vector<16xi32>], vector<16xf32>,
        %mul3A_106 = arith.mulf %get3A_37, %gather3A_105 : vector<16xf32>
        %reduce_sum3A_107 = arith.constant true
        %reduce_sum3A_108 = vector.broadcast %reduce_sum3A_107 : i1 to vector<16xi1>
        %reduce_sum3A_109 = tpu.scan <sum>, %mul3A_106 masked %reduce_sum3A_108 : vector<16xf32>, vector<16xi1> -> vector<16xf32>
        %reduce_sum3A_110 = vector.extract %reduce_sum3A_109[15] : f32 from vector<16xf32>
        %add3A_111 = arith.constant 30000 : i32
        %add3A_112 = vector.broadcast %add3A_111 : i32 to vector<16xi32>
        %add3A_113 = arith.addi %gather3A, %add3A_112 : vector<16xi32>
        %gather3A_114 = tpu.vector_load_idx %arg7[%add3A_113] : memref<40000xf32, #tpu.memory_space<vmem>>[vector<16xi32>], vector<16xf32>,
        %add3A_115 = vector.broadcast %reduce_sum3A_110 : f32 to vector<16xf32>
        %add3A_116 = arith.addf %gather3A_114, %add3A_115 : vector<16xf32>
        %add3A_117 = arith.constant 30000 : i32
        %add3A_118 = vector.broadcast %add3A_117 : i32 to vector<16xi32>
        %add3A_119 = arith.addi %gather3A, %add3A_118 : vector<16xi32>
        tpu.vector_store_idx %arg7[%add3A_119], %add3A_116 masked %eq3A_6 : memref<40000xf32, #tpu.memory_space<vmem>>[vector<16xi32>], vector<16xf32>, vector<16xi1>
        %add3A_120 = arith.constant 30000 : i32
        %add3A_121 = vector.broadcast %add3A_120 : i32 to vector<16xi32>
        %add3A_122 = arith.addi %broadcast_in_dim3A, %add3A_121 : vector<16xi32>
        %convert_element_type3A_123 = arith.fptosi %add3A_116 : vector<16xf32> to vector<16xi32>
        tpu.vector_store_idx %arg8[%add3A_122], %convert_element_type3A_123 masked %eq3A_6 : memref<40000xi32, #tpu.memory_space<vmem>>[vector<16xi32>], vector<16xi32>, vector<16xi1>
      }
      %scan3A_26 = arith.constant 400 : i32
    }
    %scan3A_11 = arith.constant 25 : i32
    "tpu.region"() ({
      %run_scoped3A = tpu.sem_alloc : memref<!tpu.dma_semaphore, #tpu.memory_space<semaphore_mem>>
      %dma_start3A = tpu.memref_slice %arg6[%mul3A_4] : memref<1280000xi32, #tpu.memory_space<hbm>> -> memref<40000xi32, #tpu.memory_space<hbm>>
      %dma_start3A_12 = tpu.memref_slice %arg6[%mul3A_4] : memref<1280000xi32, #tpu.memory_space<hbm>> -> memref<40000xi32, #tpu.memory_space<hbm>>
      tpu.enqueue_dma source(%arg8 : memref<40000xi32, #tpu.memory_space<vmem>>) target(%dma_start3A_12 : memref<40000xi32, #tpu.memory_space<hbm>>) target_semaphore(%run_scoped3A : memref<!tpu.dma_semaphore, #tpu.memory_space<semaphore_mem>>)
      %dma_wait3A = tpu.memref_slice %arg6[%mul3A_4] : memref<1280000xi32, #tpu.memory_space<hbm>> -> memref<40000xi32, #tpu.memory_space<hbm>>
      %dma_wait3A_13 = tpu.memref_slice %arg6[%mul3A_4] : memref<1280000xi32, #tpu.memory_space<hbm>> -> memref<40000xi32, #tpu.memory_space<hbm>>
      tpu.wait_dma2 semaphore(%run_scoped3A : memref<!tpu.dma_semaphore, #tpu.memory_space<semaphore_mem>>) src(%arg8 : memref<40000xi32, #tpu.memory_space<vmem>>) dst(%dma_wait3A_13 : memref<40000xi32, #tpu.memory_space<hbm>>)
      tpu.yield
    }) : () -> ()
    return
  }
}

module attributes {stable_mosaic.version = 14 : i64} {
  func.func @_tc_scan_body(%arg0: i32, %arg1: memref<1x1000x17xi32, #tpu.memory_space<smem>>, %arg2: memref<10000x128xf32, #tpu.memory_space<vmem>>, %arg3: memref<1x128xf32, #tpu.memory_space<vmem>>, %arg4: memref<8x128xbf16, #tpu.memory_space<vmem>>, %arg5: memref<1xf32, #tpu.memory_space<smem>>, %arg6: memref<1xf32, #tpu.memory_space<smem>>, %arg7: memref<1000x128xi32, #tpu.memory_space<vmem>>, %arg8: memref<16000x1xf32, #tpu.memory_space<vmem>>, %arg9: memref<10000x128xf32, #tpu.memory_space<vmem>>) attributes {dimension_semantics = [#tpu.dimension_semantics<arbitrary>], iteration_bounds = array<i64: 10>, scalar_prefetch = 0 : i64, scratch_operands = 1 : i64, tpu.core_type = #tpu.core_type<tc>, window_params = [{transform_indices = @transform_0, window_bounds = array<i64: 1, 1000, 17>}, {pipeline_mode = #tpu.pipeline_mode<synchronous>, transform_indices = @transform_1, window_bounds = array<i64: 10000, 128>}, {pipeline_mode = #tpu.pipeline_mode<synchronous>, transform_indices = @transform_2, window_bounds = array<i64: 1, 128>}, {pipeline_mode = #tpu.pipeline_mode<synchronous>, transform_indices = @transform_3, window_bounds = array<i64: 8, 128>}, {transform_indices = @transform_4, window_bounds = array<i64: 1>}, {transform_indices = @transform_5, window_bounds = array<i64: 1>}, {transform_indices = @transform_6, window_bounds = array<i64: 1000, 128>}, {transform_indices = @transform_7, window_bounds = array<i64: 16000, 1>}]} {
    %eq3A = arith.constant 0 : i32
    %eq3A_0 = arith.cmpi eq, %arg0, %eq3A : i32
    %convert_element_type3A = arith.extui %eq3A_0 : i1 to i32
    %cond3A = arith.constant 0 : i32
    %cond3A_1 = arith.cmpi ne, %convert_element_type3A, %cond3A : i32
    scf.if %cond3A_1 {
      %get3A_15 = arith.constant 0 : index
      %get3A_16 = arith.constant 0 : index
      %get3A_17 = vector.load %arg2[%get3A_15, %get3A_16] : memref<10000x128xf32, #tpu.memory_space<vmem>>, vector<10000x128xf32>
      %swap3A = arith.constant 0 : index
      %swap3A_18 = arith.constant 0 : index
      %swap3A_19 = vector.load %arg9[%swap3A, %swap3A_18] : memref<10000x128xf32, #tpu.memory_space<vmem>>, vector<10000x128xf32>
      tpu.vector_store %arg9[%swap3A, %swap3A_18], %get3A_17 {strides = array<i32>} : memref<10000x128xf32, #tpu.memory_space<vmem>>, vector<10000x128xf32>,
    } else {
    }
    %get3A = arith.constant 0 : index
    %get3A_2 = memref.load %arg5[%get3A] : memref<1xf32, #tpu.memory_space<smem>>
    %get3A_3 = arith.constant 0 : index
    %get3A_4 = memref.load %arg6[%get3A_3] : memref<1xf32, #tpu.memory_space<smem>>
    %get3A_5 = arith.constant 0 : index
    %get3A_6 = arith.constant 0 : index
    %get3A_7 = vector.load %arg3[%get3A_5, %get3A_6] : memref<1x128xf32, #tpu.memory_space<vmem>>, vector<1x128xf32>
    %get3A_8 = arith.constant 0 : index
    %get3A_9 = arith.constant 0 : index
    %get3A_10 = vector.load %arg4[%get3A_8, %get3A_9] : memref<8x128xbf16, #tpu.memory_space<vmem>>, vector<8x128xbf16>
    %scan3A = arith.constant 0 : i32
    %scan3A_11 = arith.constant 1000 : i32
    %scan3A_12 = arith.addi %scan3A, %scan3A_11 : i32
    %scan3A_13 = arith.constant 1 : i32
    scf.for %scan3A_15 = %scan3A to %scan3A_12 step %scan3A_13  : i32 {
      %get3A_16 = arith.constant 0 : index
      %get3A_17 = arith.index_cast %scan3A_15 : i32 to index
      %get3A_18 = arith.constant 0 : index
      %get3A_19 = memref.load %arg1[%get3A_16, %get3A_17, %get3A_18] : memref<1x1000x17xi32, #tpu.memory_space<smem>>
      %get3A_20 = arith.constant 0 : index
      %get3A_21 = arith.index_cast %scan3A_15 : i32 to index
      %get3A_22 = arith.constant 1 : index
      %get3A_23 = memref.load %arg1[%get3A_20, %get3A_21, %get3A_22] : memref<1x1000x17xi32, #tpu.memory_space<smem>>
      %get3A_24 = arith.index_cast %get3A_23 : i32 to index
      %get3A_25 = arith.constant 0 : index
      %get3A_26 = vector.load %arg9[%get3A_24, %get3A_25] : memref<10000x128xf32, #tpu.memory_space<vmem>>, vector<1x128xf32>
      %get3A_27 = arith.constant 0 : index
      %get3A_28 = arith.index_cast %scan3A_15 : i32 to index
      %get3A_29 = arith.constant 2 : index
      %get3A_30 = memref.load %arg1[%get3A_27, %get3A_28, %get3A_29] : memref<1x1000x17xi32, #tpu.memory_space<smem>>
      %get3A_31 = arith.index_cast %get3A_30 : i32 to index
      %get3A_32 = arith.constant 0 : index
      %get3A_33 = vector.load %arg9[%get3A_31, %get3A_32] : memref<10000x128xf32, #tpu.memory_space<vmem>>, vector<1x128xf32>
      %get3A_34 = arith.constant 0 : index
      %get3A_35 = arith.index_cast %scan3A_15 : i32 to index
      %get3A_36 = arith.constant 3 : index
      %get3A_37 = memref.load %arg1[%get3A_34, %get3A_35, %get3A_36] : memref<1x1000x17xi32, #tpu.memory_space<smem>>
      %get3A_38 = arith.index_cast %get3A_37 : i32 to index
      %get3A_39 = arith.constant 0 : index
      %get3A_40 = vector.load %arg9[%get3A_38, %get3A_39] : memref<10000x128xf32, #tpu.memory_space<vmem>>, vector<1x128xf32>
      %get3A_41 = arith.constant 0 : index
      %get3A_42 = arith.index_cast %scan3A_15 : i32 to index
      %get3A_43 = arith.constant 4 : index
      %get3A_44 = memref.load %arg1[%get3A_41, %get3A_42, %get3A_43] : memref<1x1000x17xi32, #tpu.memory_space<smem>>
      %get3A_45 = arith.index_cast %get3A_44 : i32 to index
      %get3A_46 = arith.constant 0 : index
      %get3A_47 = vector.load %arg9[%get3A_45, %get3A_46] : memref<10000x128xf32, #tpu.memory_space<vmem>>, vector<1x128xf32>
      %get3A_48 = arith.constant 0 : index
      %get3A_49 = arith.index_cast %scan3A_15 : i32 to index
      %get3A_50 = arith.constant 5 : index
      %get3A_51 = memref.load %arg1[%get3A_48, %get3A_49, %get3A_50] : memref<1x1000x17xi32, #tpu.memory_space<smem>>
      %get3A_52 = arith.index_cast %get3A_51 : i32 to index
      %get3A_53 = arith.constant 0 : index
      %get3A_54 = vector.load %arg9[%get3A_52, %get3A_53] : memref<10000x128xf32, #tpu.memory_space<vmem>>, vector<1x128xf32>
      %get3A_55 = arith.constant 0 : index
      %get3A_56 = arith.index_cast %scan3A_15 : i32 to index
      %get3A_57 = arith.constant 6 : index
      %get3A_58 = memref.load %arg1[%get3A_55, %get3A_56, %get3A_57] : memref<1x1000x17xi32, #tpu.memory_space<smem>>
      %get3A_59 = arith.index_cast %get3A_58 : i32 to index
      %get3A_60 = arith.constant 0 : index
      %get3A_61 = vector.load %arg9[%get3A_59, %get3A_60] : memref<10000x128xf32, #tpu.memory_space<vmem>>, vector<1x128xf32>
      %get3A_62 = arith.constant 0 : index
      %get3A_63 = arith.index_cast %scan3A_15 : i32 to index
      %get3A_64 = arith.constant 7 : index
      %get3A_65 = memref.load %arg1[%get3A_62, %get3A_63, %get3A_64] : memref<1x1000x17xi32, #tpu.memory_space<smem>>
      %get3A_66 = arith.index_cast %get3A_65 : i32 to index
      %get3A_67 = arith.constant 0 : index
      %get3A_68 = vector.load %arg9[%get3A_66, %get3A_67] : memref<10000x128xf32, #tpu.memory_space<vmem>>, vector<1x128xf32>
      %get3A_69 = arith.constant 0 : index
      %get3A_70 = arith.index_cast %scan3A_15 : i32 to index
      %get3A_71 = arith.constant 8 : index
      %get3A_72 = memref.load %arg1[%get3A_69, %get3A_70, %get3A_71] : memref<1x1000x17xi32, #tpu.memory_space<smem>>
      %get3A_73 = arith.index_cast %get3A_72 : i32 to index
      %get3A_74 = arith.constant 0 : index
      %get3A_75 = vector.load %arg9[%get3A_73, %get3A_74] : memref<10000x128xf32, #tpu.memory_space<vmem>>, vector<1x128xf32>
      %get3A_76 = arith.constant 0 : index
      %get3A_77 = arith.index_cast %scan3A_15 : i32 to index
      %get3A_78 = arith.constant 9 : index
      %get3A_79 = memref.load %arg1[%get3A_76, %get3A_77, %get3A_78] : memref<1x1000x17xi32, #tpu.memory_space<smem>>
      %get3A_80 = arith.index_cast %get3A_79 : i32 to index
      %get3A_81 = arith.constant 0 : index
      %get3A_82 = vector.load %arg9[%get3A_80, %get3A_81] : memref<10000x128xf32, #tpu.memory_space<vmem>>, vector<1x128xf32>
      %get3A_83 = arith.constant 0 : index
      %get3A_84 = arith.index_cast %scan3A_15 : i32 to index
      %get3A_85 = arith.constant 10 : index
      %get3A_86 = memref.load %arg1[%get3A_83, %get3A_84, %get3A_85] : memref<1x1000x17xi32, #tpu.memory_space<smem>>
      %get3A_87 = arith.index_cast %get3A_86 : i32 to index
      %get3A_88 = arith.constant 0 : index
      %get3A_89 = vector.load %arg9[%get3A_87, %get3A_88] : memref<10000x128xf32, #tpu.memory_space<vmem>>, vector<1x128xf32>
      %get3A_90 = arith.constant 0 : index
      %get3A_91 = arith.index_cast %scan3A_15 : i32 to index
      %get3A_92 = arith.constant 11 : index
      %get3A_93 = memref.load %arg1[%get3A_90, %get3A_91, %get3A_92] : memref<1x1000x17xi32, #tpu.memory_space<smem>>
      %get3A_94 = arith.index_cast %get3A_93 : i32 to index
      %get3A_95 = arith.constant 0 : index
      %get3A_96 = vector.load %arg9[%get3A_94, %get3A_95] : memref<10000x128xf32, #tpu.memory_space<vmem>>, vector<1x128xf32>
      %get3A_97 = arith.constant 0 : index
      %get3A_98 = arith.index_cast %scan3A_15 : i32 to index
      %get3A_99 = arith.constant 12 : index
      %get3A_100 = memref.load %arg1[%get3A_97, %get3A_98, %get3A_99] : memref<1x1000x17xi32, #tpu.memory_space<smem>>
      %get3A_101 = arith.index_cast %get3A_100 : i32 to index
      %get3A_102 = arith.constant 0 : index
      %get3A_103 = vector.load %arg9[%get3A_101, %get3A_102] : memref<10000x128xf32, #tpu.memory_space<vmem>>, vector<1x128xf32>
      %get3A_104 = arith.constant 0 : index
      %get3A_105 = arith.index_cast %scan3A_15 : i32 to index
      %get3A_106 = arith.constant 13 : index
      %get3A_107 = memref.load %arg1[%get3A_104, %get3A_105, %get3A_106] : memref<1x1000x17xi32, #tpu.memory_space<smem>>
      %get3A_108 = arith.index_cast %get3A_107 : i32 to index
      %get3A_109 = arith.constant 0 : index
      %get3A_110 = vector.load %arg9[%get3A_108, %get3A_109] : memref<10000x128xf32, #tpu.memory_space<vmem>>, vector<1x128xf32>
      %get3A_111 = arith.constant 0 : index
      %get3A_112 = arith.index_cast %scan3A_15 : i32 to index
      %get3A_113 = arith.constant 14 : index
      %get3A_114 = memref.load %arg1[%get3A_111, %get3A_112, %get3A_113] : memref<1x1000x17xi32, #tpu.memory_space<smem>>
      %get3A_115 = arith.index_cast %get3A_114 : i32 to index
      %get3A_116 = arith.constant 0 : index
      %get3A_117 = vector.load %arg9[%get3A_115, %get3A_116] : memref<10000x128xf32, #tpu.memory_space<vmem>>, vector<1x128xf32>
      %get3A_118 = arith.constant 0 : index
      %get3A_119 = arith.index_cast %scan3A_15 : i32 to index
      %get3A_120 = arith.constant 15 : index
      %get3A_121 = memref.load %arg1[%get3A_118, %get3A_119, %get3A_120] : memref<1x1000x17xi32, #tpu.memory_space<smem>>
      %get3A_122 = arith.index_cast %get3A_121 : i32 to index
      %get3A_123 = arith.constant 0 : index
      %get3A_124 = vector.load %arg9[%get3A_122, %get3A_123] : memref<10000x128xf32, #tpu.memory_space<vmem>>, vector<1x128xf32>
      %get3A_125 = arith.constant 0 : index
      %get3A_126 = arith.index_cast %scan3A_15 : i32 to index
      %get3A_127 = arith.constant 16 : index
      %get3A_128 = memref.load %arg1[%get3A_125, %get3A_126, %get3A_127] : memref<1x1000x17xi32, #tpu.memory_space<smem>>
      %get3A_129 = arith.index_cast %get3A_128 : i32 to index
      %get3A_130 = arith.constant 0 : index
      %get3A_131 = vector.load %arg9[%get3A_129, %get3A_130] : memref<10000x128xf32, #tpu.memory_space<vmem>>, vector<1x128xf32>
      %concatenate3A = tpu.concatenate %get3A_26, %get3A_33, %get3A_40, %get3A_47, %get3A_54, %get3A_61, %get3A_68, %get3A_75, %get3A_82, %get3A_89, %get3A_96, %get3A_103, %get3A_110, %get3A_117, %get3A_124, %get3A_131 in 0 : vector<1x128xf32>, vector<1x128xf32>, vector<1x128xf32>, vector<1x128xf32>, vector<1x128xf32>, vector<1x128xf32>, vector<1x128xf32>, vector<1x128xf32>, vector<1x128xf32>, vector<1x128xf32>, vector<1x128xf32>, vector<1x128xf32>, vector<1x128xf32>, vector<1x128xf32>, vector<1x128xf32>, vector<1x128xf32> -> vector<16x128xf32>
      %get3A_132 = arith.index_cast %get3A_19 : i32 to index
      %get3A_133 = arith.constant 0 : index
      %get3A_134 = vector.load %arg9[%get3A_132, %get3A_133] : memref<10000x128xf32, #tpu.memory_space<vmem>>, vector<1x128xf32>
      %mul3A = arith.mulf %get3A_134, %get3A_7 : vector<1x128xf32>
      %reduce_sum3A = arith.constant dense<0.000000e+00> : vector<1xf32>
      %reduce_sum3A_135 = vector.multi_reduction <add>, %mul3A, %reduce_sum3A [1] : vector<1x128xf32> to vector<1xf32>
      %broadcast_in_dim3A = vector.shape_cast %reduce_sum3A_135 : vector<1xf32> to vector<1x1xf32>
      %add3A = vector.broadcast %get3A_2 : f32 to vector<1x1xf32>
      %add3A_136 = arith.addf %broadcast_in_dim3A, %add3A : vector<1x1xf32>
      %convert_element_type3A_137 = arith.truncf %concatenate3A : vector<16x128xf32> to vector<16x128xbf16>
      %dot_general3A = arith.constant dense<0.000000e+00> : vector<16x8xf32>
      %dot_general3A_138 = tpu.matmul %convert_element_type3A_137, %get3A_10, %dot_general3A {dimension_numbers = #tpu.dot_dimension_numbers<[1], [1], [0], [0], [0, 0, 1, 0], [], []>, transpose_lhs_hint = false} : vector<16x128xbf16>, vector<8x128xbf16>, vector<16x8xf32> -> vector<16x8xf32>
      %slice3A = vector.extract_strided_slice %dot_general3A_138 {offsets = [0, 0], sizes = [16, 1], strides = [1, 1]} : vector<16x8xf32> to vector<16x1xf32>
      %add3A_139 = vector.broadcast %get3A_4 : f32 to vector<16x1xf32>
      %add3A_140 = arith.addf %slice3A, %add3A_139 : vector<16x1xf32>
      %mul3A_141 = vector.broadcast %add3A_136 : vector<1x1xf32> to vector<16x1xf32>
      %mul3A_142 = arith.mulf %mul3A_141, %add3A_140 : vector<16x1xf32>
      %reduce_max3A = arith.constant dense<0xFF800000> : vector<1xf32>
      %reduce_max3A_143 = vector.multi_reduction <maximumf>, %mul3A_142, %reduce_max3A [0] : vector<16x1xf32> to vector<1xf32>
      %broadcast_in_dim3A_144 = vector.shape_cast %reduce_max3A_143 : vector<1xf32> to vector<1x1xf32>
      %sub3A = vector.broadcast %broadcast_in_dim3A_144 : vector<1x1xf32> to vector<16x1xf32>
      %sub3A_145 = arith.subf %mul3A_142, %sub3A : vector<16x1xf32>
      %exp3A = math.exp %sub3A_145 : vector<16x1xf32>
      %reduce_sum3A_146 = arith.constant dense<0.000000e+00> : vector<1xf32>
      %reduce_sum3A_147 = vector.multi_reduction <add>, %exp3A, %reduce_sum3A_146 [0] : vector<16x1xf32> to vector<1xf32>
      %broadcast_in_dim3A_148 = vector.shape_cast %reduce_sum3A_147 : vector<1xf32> to vector<1x1xf32>
      %div3A = vector.broadcast %broadcast_in_dim3A_148 : vector<1x1xf32> to vector<16x1xf32>
      %div3A_149 = arith.divf %exp3A, %div3A : vector<16x1xf32>
      %mul3A_150 = vector.broadcast %div3A_149 : vector<16x1xf32> to vector<16x128xf32>
      %mul3A_151 = arith.mulf %mul3A_150, %concatenate3A : vector<16x128xf32>
      %reduce_sum3A_152 = arith.constant dense<0.000000e+00> : vector<128xf32>
      %reduce_sum3A_153 = vector.multi_reduction <add>, %mul3A_151, %reduce_sum3A_152 [0] : vector<16x128xf32> to vector<128xf32>
      %broadcast_in_dim3A_154 = vector.shape_cast %reduce_sum3A_153 : vector<128xf32> to vector<1x128xf32>
      %add3A_155 = arith.addf %get3A_134, %broadcast_in_dim3A_154 : vector<1x128xf32>
      %swap3A = arith.index_cast %get3A_19 : i32 to index
      %swap3A_156 = arith.constant 0 : index
      %swap3A_157 = vector.load %arg9[%swap3A, %swap3A_156] : memref<10000x128xf32, #tpu.memory_space<vmem>>, vector<1x128xf32>
      tpu.vector_store %arg9[%swap3A, %swap3A_156], %add3A_155 {strides = array<i32>} : memref<10000x128xf32, #tpu.memory_space<vmem>>, vector<1x128xf32>,
      %convert_element_type3A_158 = arith.fptosi %add3A_155 : vector<1x128xf32> to vector<1x128xi32>
      %swap3A_159 = arith.index_cast %scan3A_15 : i32 to index
      %swap3A_160 = arith.constant 0 : index
      %swap3A_161 = vector.load %arg7[%swap3A_159, %swap3A_160] : memref<1000x128xi32, #tpu.memory_space<vmem>>, vector<1x128xi32>
      tpu.vector_store %arg7[%swap3A_159, %swap3A_160], %convert_element_type3A_158 {strides = array<i32>} : memref<1000x128xi32, #tpu.memory_space<vmem>>, vector<1x128xi32>,
      %mul3A_162 = arith.constant 16 : i32
      %mul3A_163 = arith.muli %scan3A_15, %mul3A_162 : i32
      %swap3A_164 = arith.index_cast %mul3A_163 : i32 to index
      %swap3A_165 = arith.constant 0 : index
      %swap3A_166 = vector.load %arg8[%swap3A_164, %swap3A_165] : memref<16000x1xf32, #tpu.memory_space<vmem>>, vector<16x1xf32>
      tpu.vector_store %arg8[%swap3A_164, %swap3A_165], %div3A_149 {strides = array<i32>} : memref<16000x1xf32, #tpu.memory_space<vmem>>, vector<16x1xf32>,
    }
    %scan3A_14 = arith.constant 1000 : i32
    return
  }
  func.func @transform_0(%arg0: i32) -> (i32, i32, i32) {
    %c0_i32 = arith.constant 0 : i32
    %c0_i32_0 = arith.constant 0 : i32
    %c0_i32_1 = arith.constant 0 : i32
    return %arg0, %c0_i32, %c0_i32_0 : i32, i32, i32
  }
  func.func @transform_1(%arg0: i32) -> (i32, i32) {
    %c0_i32 = arith.constant 0 : i32
    %c0_i32_0 = arith.constant 0 : i32
    %c0_i32_1 = arith.constant 0 : i32
    return %c0_i32, %c0_i32_0 : i32, i32
  }
  func.func @transform_2(%arg0: i32) -> (i32, i32) {
    %c0_i32 = arith.constant 0 : i32
    %c0_i32_0 = arith.constant 0 : i32
    %c0_i32_1 = arith.constant 0 : i32
    return %c0_i32, %c0_i32_0 : i32, i32
  }
  func.func @transform_3(%arg0: i32) -> (i32, i32) {
    %c0_i32 = arith.constant 0 : i32
    %c0_i32_0 = arith.constant 0 : i32
    %c0_i32_1 = arith.constant 0 : i32
    return %c0_i32, %c0_i32_0 : i32, i32
  }
  func.func @transform_4(%arg0: i32) -> i32 {
    %c0_i32 = arith.constant 0 : i32
    %c0_i32_0 = arith.constant 0 : i32
    return %c0_i32 : i32
  }
  func.func @transform_5(%arg0: i32) -> i32 {
    %c0_i32 = arith.constant 0 : i32
    %c0_i32_0 = arith.constant 0 : i32
    return %c0_i32 : i32
  }
  func.func @transform_6(%arg0: i32) -> (i32, i32) {
    %c0_i32 = arith.constant 0 : i32
    %c0_i32_0 = arith.constant 0 : i32
    return %arg0, %c0_i32 : i32, i32
  }
  func.func @transform_7(%arg0: i32) -> (i32, i32) {
    %c0_i32 = arith.constant 0 : i32
    %c0_i32_0 = arith.constant 0 : i32
    return %arg0, %c0_i32 : i32, i32
  }
}

</mosaic_0001>

<sc_bundles>
// kernel: kernel.4.cloned.1.call-start
scs
__scs_entry_jumppad:
0x0: {  	(pc) =	sbr.rel $0x88, $3  }
0x1: {  	(tag) =	ssettag $0x0;
	lr =	simm.s32 $0x1  }
0x2: {  	[smem:$0x3F9B] =	sst lr;
	_ =	strace $0xD0000000  }
0x3: {  	_ = 	snop  }
0x4: {  	_ = 	snop  }
0x5: {  	_ = 	snop  }
0x6: {  	_ = 	snop  }
0x7: {  	_ = 	snop  }
__scs_overlays_trampoline_lowered:
0x8: {  	[smem:$0x3FAA] =	sst s0  }
0x9: {  	[smem:$0x3FAB] =	sst s1  }
0xa: {  	[smem:$0x3FAC] =	sst s2  }
0xb: {  	[smem:$0x3FAD] =	sst s3  }
0xc: {  	[smem:$0x3FAE] =	sst s4  }
0xd: {  	[smem:$0x3FAF] =	sst s5  }
0xe: {  	[smem:$0x3FB0] =	sst s6  }
0xf: {  	[smem:$0x3FB1] =	sst s7  }
0x10: {  	[smem:$0x3FB2] =	sst s8  }
0x11: {  	[smem:$0x3FB3] =	sst s9;
	s0 =	simm.s32 @!p0 $0x0  }
0x12: {  	s1 =	sld [smem:$0x3F99];
	s0 =	simm.s32 @p0 $0x1  }
0x13: {  	[smem:$0x3FB4] =	sst s0;
	s0 =	simm.s32 @!p1 $0x0  }
0x14: {  	s2 =	sld [smem:$0x3F98];
	s0 =	simm.s32 @p1 $0x1  }
0x15: {  	[smem:$0x3FB5] =	sst s0;
	s0 =	simm.s32 @!p2 $0x0  }
0x16: {  	s3 =	sld [smem:$0x3FDB];
	s0 =	simm.s32 @p2 $0x1  }
0x17: {  	s4 =	simm.s32 $0x1BF5;
	[smem:$0x3FB7] =	sst s0  }
0x18: {  	s0 =	sld [smem:$0x3F9A];
	_ =	swait.ge [sflag:s4], $0x0  }
0x19: {  	s7 =	sld [smem:$0x3F9B]  }
0x1a: {  	s8 =	sadd.s32 $0xFFFFE003, lr  }
0x1b: {  	s9 =	sadd.s32 $0xFFFFFEF7, lr;
	s5 =	simm.s32 $0xFFFFFFFF;
	p2 =	slt.u32 s8, $0xFFFFF086  }
0x1c: {  	p1 =	slt.u32 s9, $0xF7A;
	s5 =	simm.s32 @!p2 $0x0  }
0x1d: {  	s5 =	simm.s32 @p1 $0x1;
	p0 =	seq.s32 s7, s2  }
0x1e: {  	s7 =	smul.u32 @!p0 $0xF7A, s2;
	p2 =	seq.s32 @!p0 s5, $0x0  }
0x1f: {  	s9 =	smul.u32 $0xF7A, s1;
	s8 =	simm.s32 @!p0 $0x1BF5;
	p2 =	por !p2, p0  }
0x20: {  	[sflag:s8] =	ssyncset.s32 @!p0 $0xFFFFF086;
	s6 =	sadd.s32 @!p0 s3, s7;
	s7 =	simm.s32 @!p0 $0x108  }
0x21: {  	s3 =	sadd.s32 s3, s9;
	s6 =	sadd.s32 @!p0 $0x88, s6;
	s7 =	simm.s32 @p2 $0x1082  }
0x22: {  	[simem:s7], [sflag:s8] =	dma.local @!p0 [hbm:s6], $0xF7A  }
0x23: {  	s9 =	sor.u32 $0xD0000000, s2;
	s6 =	simm.s32 $0x108;
	_ =	swait.ge @!p0 [sflag:s8], $0x0  }
0x24: {  	s3 =	sadd.s32 $0x88, s3;
	s6 =	simm.s32 @!p1 $0x1082;
	[sflag:s4] =	ssyncset.s32 $0xFFFFF086  }
0x25: {  	[simem:s6], [sflag:s4] =	dma.local [hbm:s3], $0xF7A  }
0x26: {  	[smem:$0x3F9B] =	sst s1;
	(tag) =	ssettag s2;
	_ =	strace s9  }
0x27: {  	s1 =	sld [smem:$0x3FAB]  }
0x28: {  	s2 =	sld [smem:$0x3FAC]  }
0x29: {  	s4 =	sld [smem:$0x3FAE]  }
0x2a: {  	p0 =	seq.s32 s5, $0x0;
	s5 =	sld [smem:$0x3FAF]  }
0x2b: {  	s6 =	sld [smem:$0x3FB0]  }
0x2c: {  	s7 =	sld [smem:$0x3FB1]  }
0x2d: {  	s3 =	simm.s32 $0x108;
	s8 =	sld [smem:$0x3FB2]  }
0x2e: {  	s3 =	simm.s32 @!p0 $0x1082;
	s9 =	sld [smem:$0x3FB3]  }
0x2f: {  	lr =	sadd.s32 s0, s3;
	s0 =	sld [smem:$0x3FAA]  }
0x30: {  	s3 =	sld [smem:$0x3FAD]  }
0x31: {  	[smem:$0x3FB6] =	sst s10  }
0x32: {  	s10 =	sld [smem:$0x3FB4];
	_ =	sdelay $0x3  }
0x33: {  	p0 =	seq.s32 s10, $0x1;
	s10 =	sld [smem:$0x3FB6];
	_ =	sdelay $0x3  }
0x34: {  	[smem:$0x3FB6] =	sst s10  }
0x35: {  	s10 =	sld [smem:$0x3FB5];
	_ =	sdelay $0x3  }
0x36: {  	p1 =	seq.s32 s10, $0x1;
	s10 =	sld [smem:$0x3FB6];
	_ =	sdelay $0x3  }
0x37: {  	[smem:$0x3FB6] =	sst s10  }
0x38: {  	s10 =	sld [smem:$0x3FB7]  }
0x39: {  	_ = 	snop;
	(pc) =	sbr.ind lr, $3  }
0x3a: {  	_ = 	snop  }
0x3b: {  	_ = 	snop  }
0x3c: {  	p2 =	seq.s32 s10, $0x1;
	s10 =	sld [smem:$0x3FB6]  }
0x3d: {  	_ =	shalt  }
0x3e: {  	_ =	shalt  }
0x3f: {  	_ =	shalt  }
0x40: {  	_ =	shalt  }
0x41: {  	_ =	shalt  }
0x42: {  	_ =	shalt  }
0x43: {  	_ =	shalt  }
0x44: {  	_ =	shalt  }
0x45: {  	_ =	shalt  }
0x46: {  	_ =	shalt  }
0x47: {  	_ =	shalt  }
0x48: {  	_ =	shalt  }
0x49: {  	_ =	shalt  }
0x4a: {  	_ =	shalt  }
0x4b: {  	_ =	shalt  }
0x4c: {  	_ =	shalt  }
0x4d: {  	_ =	shalt  }
0x4e: {  	_ =	shalt  }
0x4f: {  	_ =	shalt  }
0x50: {  	_ =	shalt  }
0x51: {  	_ =	shalt  }
0x52: {  	_ =	shalt  }
0x53: {  	_ =	shalt  }
0x54: {  	_ =	shalt  }
0x55: {  	_ =	shalt  }
0x56: {  	_ =	shalt  }
0x57: {  	_ =	shalt  }
0x58: {  	_ =	shalt  }
0x59: {  	_ =	shalt  }
0x5a: {  	_ =	shalt  }
0x5b: {  	_ =	shalt  }
0x5c: {  	_ =	shalt  }
0x5d: {  	_ =	shalt  }
0x5e: {  	_ =	shalt  }
0x5f: {  	_ =	shalt  }
0x60: {  	_ =	shalt  }
0x61: {  	_ =	shalt  }
0x62: {  	_ =	shalt  }
0x63: {  	_ =	shalt  }
0x64: {  	_ =	shalt  }
0x65: {  	_ =	shalt  }
0x66: {  	_ =	shalt  }
0x67: {  	_ =	shalt  }
0x68: {  	_ =	shalt  }
0x69: {  	_ =	shalt  }
0x6a: {  	_ =	shalt  }
0x6b: {  	_ =	shalt  }
0x6c: {  	_ =	shalt  }
0x6d: {  	_ =	shalt  }
0x6e: {  	_ =	shalt  }
0x6f: {  	_ =	shalt  }
0x70: {  	_ =	shalt  }
0x71: {  	_ =	shalt  }
0x72: {  	_ =	shalt  }
0x73: {  	_ =	shalt  }
0x74: {  	_ =	shalt  }
0x75: {  	_ =	shalt  }
0x76: {  	_ =	shalt  }
0x77: {  	_ =	shalt  }
0x78: {  	_ =	shalt  }
0x79: {  	_ =	shalt  }
0x7a: {  	_ =	shalt  }
0x7b: {  	_ =	shalt  }
0x7c: {  	_ =	shalt  }
0x7d: {  	_ =	shalt  }
0x7e: {  	_ =	shalt  }
0x7f: {  	_ =	shalt  }
0x80: {  	_ =	shalt  }
0x81: {  	_ =	shalt  }
0x82: {  	_ =	shalt  }
0x83: {  	_ =	shalt  }
0x84: {  	_ =	shalt  }
0x85: {  	_ =	shalt  }
0x86: {  	_ =	shalt  }
0x87: {  	_ =	shalt  }
.Lfunc_end0:
.L_simem_size_0:
called_computation_lowered:
.L_overlay_start_0:
0x88: {  	s2 =	sld [smem:$0x3FD9]  }
0x89: {  	s3 =	sld [smem:$0x3FFE];
	_ =	sdelay $0x1  }
0x8a: {  	s1 =	srdreg.scid  }
0x8b: {  	s0 =	sand.u32 $0x1, s1  }
0x8c: {  	s17 =	sshll.u32 s0, $0xA;
	s2 =	sadd.s32 s3, s2  }
0x8d: {  	s2 =	sadd.s32 s2, s17  }
0x8e: {  	[smem:$0x3FC2] =	sst s2  }
0x8f: {  	_ = 	snop  }
0x90: {  	s2 =	sld [smem:$0x3FD0];
	(tm) =	ssettm $0x1  }
0x91: {  	s18 =	sld [smem:$0x3FFB];
	_ =	sdelay $0x3  }
0x92: {  	_ =	strace s18  }
0x93: {  	s3 =	sld [smem:$0x3FFC];
	_ =	sdelay $0x3  }
0x94: {  	_ =	strace s3  }
0x95: {  	s3 =	sld [smem:$0x3FFD];
	_ =	sdelay $0x3  }
0x96: {  	_ =	strace s3  }
0x97: {  	_ =	strace $0x8FFFFFFF  }
0x98: {  	s19 =	sld [smem:$0x3FDB];
	_ =	sdelay $0x1  }
0x99: {  	s4 =	simm.s32 $_scs_section_size  }
0x9a: {  	s5 =	simm.s32 $_size__tile_overlayer_lowered;
	s6 =	simm.s32 $_tile_overlayer_lowered  }
0x9b: {  	s22 =	simm.s32 $0x1BFF;
	s21 =	sshll.u32 s6, $0x1;
	s3 =	sadd.s32 s4, s19  }
0x9c: {  	s7 =	simm.s32 $0x0;
	s20 =	sshll.u32 s5, $0x1;
	s5 =	sadd.s32 s21, s3  }
0x9d: {  	[timem:s7], [sflag:s22] =	dma.local [hbm:s5], s20  }
0x9e: {  	_ =	swait.ge [sflag:s22], s20  }
0x9f: {  	s4 =	ssub.s32 $0x0, s20;
	[sflag:s22] =	ssyncset.done $0x0  }
0xa0: {  	[sflag:s22] =	ssyncadd.s32 s4;
	_ =	sdelay $0x1  }
0xa1: {  	s23 =	simm.s32 $0x1B8B  }
0xa2: {  	_ =	swait.ge [sflag:s23], $0x1  }
0xa3: {  	[sflag:s23] =	ssyncset.done $0x0  }
0xa4: {  	s25 =	simm.s32 $0x1B8E;
	s24 =	sld [smem:$0x3FFE];
	[sflag:s23] =	ssyncadd.s32 $0xFFFFFFFF  }
0xa5: {  	s26 =	simm.s32 $execute0_lowered;
	[smem:$0x3FD2] =	sst s25  }
0xa6: {  	s5 =	sshll.u32 s26, $0x1;
	_ =	strace $0x80000046;
	[dreg:$0x1] =	wrdreg $0xFFFFFFFF  }
0xa7: {  	s28 =	simm.s32 $_size_execute0_lowered;
	s3 =	sadd.s32 s3, s5;
	[dreg:$0x0] =	wrdreg $0x0  }
0xa8: {  	s5 =	sshll.u32 s28, $0x1;
	[dreg:$0x2] =	wrdreg s3  }
0xa9: {  	[dreg:$0x3] =	wrdreg s5  }
0xaa: {  	[dreg:$0x4] =	wrdreg $0xC0  }
0xab: {  	_ =	task [dreg:s7], $0x5FFFF  }
0xac: {  	[dreg:$0x1] =	wrdreg $0xFFFFFFFF  }
0xad: {  	[dreg:$0x0] =	wrdreg $0x60  }
0xae: {  	[dreg:$0x2] =	wrdreg s2  }
0xaf: {  	[dreg:$0x3] =	wrdreg s24  }
0xb0: {  	[dreg:$0x4] =	wrdreg $0x9  }
0xb1: {  	_ =	task.clear_ibuf [dreg:s7], $0x5FFFF;
	_ =	strace $0x90000046  }
0xb2: {  	s29 =	simm.s32 $0x9;
	_ =	strace $0x80000048  }
0xb3: {  	_ =	swait.ge [sflag:s29], $0x1  }
0xb4: {  	[sflag:s29] =	ssyncadd.s32 $0xFFFFFFFF  }
0xb5: {  	_ =	strace $0x90000048  }
0xb6: {  	_ =	sfence  }
0xb7: {  	s30 =	sld [smem:$0x0];
	_ =	sdelay $0x2  }
0xb8: {  	s31 =	sshll.u32 s1, $0xD;
	s1 =	sshrl.u32 s1, $0x2  }
0xb9: {  	s3 =	sand.u32 $0x4000, s31;
	s1 =	sadd.s32 s1, s30  }
0xba: {  	s0 =	sor.u32 s3, s0;
	s1 =	sshll.u32 s1, $0x11  }
0xbb: {  	s0 =	sor.u32 s1, s0  }
0xbc: {  	s0 =	sadd.s32 $0x8F2B, s0  }
0xbd: {  	[sflag:s0] =	ssyncadd.remote.s32 $0x1  }
0xbe: {  	_ =	sfence.sel $0xFFFF  }
0xbf: {  	[dreg:$0x0] =	wrdreg $0xFFFFFFFF;
	(pc) =	sbr.abs _section_cstart, $3  }
0xc0: {  	[dreg:$0x1] =	wrdreg $0xFFFFFFFF  }
0xc1: {  	_ =	task.clear_ibuf [dreg:s7], $0x2FFFF;
	_ =	strace $0x9FFFFFFF  }
0xc2: {  	(tm) =	ssettm $0x7FFFFFFF  }
0xc3: {  	_ =	shalt  }
tec
execute0_lowered:
.L_overlay_start_1:
0x0: {  	(tag) =	ssettag $0x1  }
0x1: {  	s6 =	rddreg [dreg:$0x0]  }
0x2: {  	s7 =	rddreg [dreg:$0x1]  }
0x3: {  	s0 =	rddreg [dreg:$0x2];
	s3 =	srdreg.scid  }
0x4: {  	s1 =	stileid.u32;
	s2 =	simm.s32 $0x0;
	s11 =	simm.s32 $0x16080  }
0x5: {  	s12 =	simm.s32 $0x17980;
	s13 =	simm.s32 $0x9C80;
	s14 =	simm.s32 $0x0  }
0x6: {  	s3 =	sand.u32 $0x1, s3;
	s4 =	sshll.u32 s1, $0x1;
	[smem:$0x7FF] =	sst s2  }
0x7: {  	s5 =	sadd.s32 $0x5A00, s7;
	s4 =	sor.u32 s3, s4;
	s9 =	ssub.s32 $0x2, s3  }
0x8: {  	_ =	strace $0x80000047;
	s8 =	smul.u32 $0x1388, s4;
	s10 =	sshrl.u32 s9, $0x1  }
0x9: {  	s3 =	sadd.s32 $0x400, s7;
	s4 =	sadd.s32 $0xA00, s7;
	s9 =	ssub.s32 s9, s10  }
0xa: {  	s10 =	simm.s32 $0x13900;
	s7 =	sadd.s32 s8, s7;
	s6 =	sadd.s32 s6, s8  }
0xb: {  	s8 =	smax.u32 s9, $0x1;
	s9 =	simm.s32 $0x1;
	s7 =	sadd.s32 $0xAA00, s7  }
.LBB2_1:
0xc: {  	[tilespmem:s2], [sflag:$0x1] =	stream.linear.gather [hbm4b:s6+s2], $0x9C40, $0x38;
	[tilespmem:$0x19280] =	vst v63  }
0xd: {  	_ =	swait.ge [sflag:s9], $0x9C40  }
0xe: {  	[sflag:s9] =	ssyncset.done $0x0  }
0xf: {  	[sflag:s9] =	ssyncadd.s32 $0xFFFF63C0  }
0x10: {  	[tilespmem:s10], [sflag:$0x1] =	stream.linear.gather [hbm4b:s3+s2], $0x2780, $0x38;
	[tilespmem:$0x19280] =	vst v63  }
0x11: {  	_ =	swait.ge [sflag:s9], $0x2780  }
0x12: {  	[sflag:s9] =	ssyncset.done $0x0  }
0x13: {  	s15 =	simm.s32 $0x0;
	s16 =	simm.s32 $0x0;
	[sflag:s9] =	ssyncadd.s32 $0xFFFFD880  }
.LBB2_2:
0x14: {  	s17 =	smul.u32 $0x320, s16;
	_ =	sdelay $0x1  }
0x15: {  	s19 =	simm.s32 $0x0;
	s18 =	sadd.s32 s4, s17  }
0x16: {  	[tilespmem:s11], [sflag:$0x1] =	stream.linear.gather [hbm4b:s18+s19], $0x1900, $0x38;
	[tilespmem:$0x19280] =	vst v63  }
0x17: {  	_ =	swait.ge [sflag:s9], $0x1900  }
0x18: {  	[sflag:s9] =	ssyncset.done $0x0  }
0x19: {  	s17 =	sadd.s32 s5, s17;
	[sflag:s9] =	ssyncadd.s32 $0xFFFFE700  }
0x1a: {  	[tilespmem:s12], [sflag:$0x1] =	stream.linear.gather [hbm4b:s17+s19], $0x1900, $0x38;
	[tilespmem:$0x19280] =	vst v63  }
0x1b: {  	_ =	swait.ge [sflag:s9], $0x1900  }
0x1c: {  	[sflag:s9] =	ssyncset.done $0x0  }
0x1d: {  	s31 =	simm.s32 $0x0;
	[sflag:s9] =	ssyncadd.s32 $0xFFFFE700  }
0x1e: {  	v0 =	vld [tilespmem:s31+$0x16080];
	_ =	sdelay $0x6  }
0x1f: {  	v2 =	vld [tilespmem:s31+$0x17980]  }
0x20: {  	v1 =	vld.idx.msk [tilespmem:v0+s2+$0x0], $0xffff;
	_ =	sdelay $0x1  }
0x21: {  	v3 =	vmov s15;
	_ =	sdelay $0x2  }
0x22: {  	v1 =	vmul.f32 v1, v2;
	_ =	sdelay $0x1  }
0x23: {  	v4 =	vld.idx.msk [tilespmem:v3+s10+$0x0], $0xffff;
	(xrf2) =	vadd.scan.msk.f32 $0xffff, v1;
	_ =	sdelay $0x7  }
0x24: {  	v1 =	vld.idx.msk [tilespmem:v4+s2+$0x0], $0xffff;
	_ =	sdelay $0x1  }
0x25: {  	v5, _, _ =	vpop (xrf2)  }
0x26: {  	v5 =	vbroadcast v5, $0xF;
	_ =	sdelay $0x1  }
0x27: {  	v1 =	vadd.f32 v5, v1  }
0x28: {  	v56 =	vadd.s32 $0x2710, v0  }
0x29: {  	v6 =	vtrunc.f32 v1  }
0x2a: {  	v6 =	vcvt.f32.s32 v6  }
0x2b: {  	[tilespmem:v4+s2+$0x0] =	vst.idx.msk $0x1, v1  }
0x2c: {  	[tilespmem:v3+s13+$0x0] =	vst.idx.msk $0x1, v6  }
0x2d: {  	v1 =	vld.idx.msk [tilespmem:v56+s2+$0x0], $0xffff;
	_ =	sdelay $0x4  }
0x2e: {  	v1 =	vmul.f32 v1, v2;
	_ =	sdelay $0x1  }
0x2f: {  	(xrf2) =	vadd.scan.msk.f32 $0xffff, v1;
	_ =	sdelay $0x2  }
0x30: {  	v1 =	vadd.s32 $0x2710, v4;
	_ =	sdelay $0x4  }
0x31: {  	v57 =	vld.idx.msk [tilespmem:v1+s2+$0x0], $0xffff;
	_ =	sdelay $0x1  }
0x32: {  	v58, _, _ =	vpop (xrf2)  }
0x33: {  	v6 =	vbroadcast v58, $0xF;
	_ =	sdelay $0x1  }
0x34: {  	v59 =	vadd.s32 $0x2710, v3;
	v5 =	vadd.f32 v6, v57  }
0x35: {  	v7 =	vadd.s32 $0x4E20, v0  }
0x36: {  	v8 =	vtrunc.f32 v5  }
0x37: {  	v8 =	vcvt.f32.s32 v8  }
0x38: {  	[tilespmem:v1+s2+$0x0] =	vst.idx.msk $0x1, v5  }
0x39: {  	[tilespmem:v59+s13+$0x0] =	vst.idx.msk $0x1, v8  }
0x3a: {  	v1 =	vld.idx.msk [tilespmem:v7+s2+$0x0], $0xffff;
	_ =	sdelay $0x4  }
0x3b: {  	v1 =	vmul.f32 v1, v2;
	_ =	sdelay $0x1  }
0x3c: {  	(xrf2) =	vadd.scan.msk.f32 $0xffff, v1;
	_ =	sdelay $0x2  }
0x3d: {  	v1 =	vadd.s32 $0x4E20, v4;
	_ =	sdelay $0x4  }
0x3e: {  	v5 =	vld.idx.msk [tilespmem:v1+s2+$0x0], $0xffff;
	_ =	sdelay $0x1  }
0x3f: {  	v60, _, _ =	vpop (xrf2)  }
0x40: {  	v6 =	vbroadcast v60, $0xF;
	_ =	sdelay $0x1  }
0x41: {  	v61 =	vadd.s32 $0x4E20, v3;
	v5 =	vadd.f32 v6, v5  }
0x42: {  	v0 =	vadd.s32 $0x7530, v0  }
0x43: {  	v62 =	vtrunc.f32 v5  }
0x44: {  	v7 =	vcvt.f32.s32 v62  }
0x45: {  	[tilespmem:v1+s2+$0x0] =	vst.idx.msk $0x1, v5  }
0x46: {  	[tilespmem:v61+s13+$0x0] =	vst.idx.msk $0x1, v7  }
0x47: {  	v0 =	vld.idx.msk [tilespmem:v0+s2+$0x0], $0xffff;
	_ =	sdelay $0x4  }
0x48: {  	v0 =	vmul.f32 v0, v2;
	_ =	sdelay $0x1  }
0x49: {  	(xrf2) =	vadd.scan.msk.f32 $0xffff, v0;
	_ =	sdelay $0x2  }
0x4a: {  	v1 =	vadd.s32 $0x7530, v4;
	_ =	sdelay $0x4  }
0x4b: {  	v0 =	vld.idx.msk [tilespmem:v1+s2+$0x0], $0xffff;
	_ =	sdelay $0x1  }
0x4c: {  	v2, _, _ =	vpop (xrf2)  }
0x4d: {  	v2 =	vbroadcast v2, $0xF;
	_ =	sdelay $0x1  }
0x4e: {  	v2 =	vadd.f32 v2, v0;
	v0 =	vadd.s32 $0x7530, v3;
	_ =	sdelay $0x1  }
0x4f: {  	v63 =	vtrunc.f32 v2  }
0x50: {  	s20 =	simm.s32 $0x80;
	s18 =	simm.s32 $0x40;
	s17 =	smov.u32 s15;
	[tilespmem:v1+s2+$0x0] =	vst.idx.msk $0x1, v2;
	v1 =	vcvt.f32.s32 v63  }
.LBB2_3:
0x51: {  	s21 =	sshra.s32 s18, $0x2  }
0x52: {  	s17 =	sadd.s32 $0x1, s17;
	s18 =	smov.u32 s20;
	s19 =	sadd.s32 $0x40, s20;
	[tilespmem:v0+s13+$0x0] =	vst.idx.msk $0x1, v1  }
0x53: {  	p0 =	sne.s32 s20, $0x63C0;
	v2 =	vld [tilespmem:s21+$0x16080];
	_ =	sdelay $0x7  }
0x54: {  	v3 =	vld.idx.msk [tilespmem:v2+s2+$0x0], $0xffff  }
0x55: {  	v1 =	vld [tilespmem:s21+$0x17980]  }
0x56: {  	v0 =	vmov s17;
	_ =	sdelay $0x3  }
0x57: {  	v3 =	vmul.f32 v3, v1  }
0x58: {  	v4 =	vld.idx.msk [tilespmem:v0+s10+$0x0], $0xffff  }
0x59: {  	(xrf2) =	vadd.scan.msk.f32 $0xffff, v3;
	_ =	sdelay $0x6  }
0x5a: {  	v3 =	vld.idx.msk [tilespmem:v4+s2+$0x0], $0xffff;
	_ =	sdelay $0x2  }
0x5b: {  	v5, _, _ =	vpop (xrf2)  }
0x5c: {  	v5 =	vbroadcast v5, $0xF;
	_ =	sdelay $0x1  }
0x5d: {  	v3 =	vadd.f32 v5, v3  }
0x5e: {  	v5 =	vadd.s32 $0x2710, v2  }
0x5f: {  	v6 =	vtrunc.f32 v3  }
0x60: {  	v6 =	vcvt.f32.s32 v6  }
0x61: {  	[tilespmem:v4+s2+$0x0] =	vst.idx.msk $0x1, v3  }
0x62: {  	[tilespmem:v0+s13+$0x0] =	vst.idx.msk $0x1, v6  }
0x63: {  	v3 =	vld.idx.msk [tilespmem:v5+s2+$0x0], $0xffff;
	_ =	sdelay $0x5  }
0x64: {  	v3 =	vmul.f32 v3, v1;
	_ =	sdelay $0x1  }
0x65: {  	(xrf2) =	vadd.scan.msk.f32 $0xffff, v3;
	_ =	sdelay $0x1  }
0x66: {  	v3 =	vadd.s32 $0x2710, v4;
	_ =	sdelay $0x4  }
0x67: {  	v5 =	vld.idx.msk [tilespmem:v3+s2+$0x0], $0xffff;
	_ =	sdelay $0x2  }
0x68: {  	v6, _, _ =	vpop (xrf2)  }
0x69: {  	v6 =	vbroadcast v6, $0xF;
	_ =	sdelay $0x1  }
0x6a: {  	v5 =	vadd.f32 v6, v5;
	v6 =	vadd.s32 $0x2710, v0  }
0x6b: {  	v7 =	vadd.s32 $0x4E20, v2  }
0x6c: {  	[tilespmem:v3+s2+$0x0] =	vst.idx.msk $0x1, v5;
	v3 =	vtrunc.f32 v5  }
0x6d: {  	v3 =	vcvt.f32.s32 v3;
	_ =	sdelay $0x1  }
0x6e: {  	[tilespmem:v6+s13+$0x0] =	vst.idx.msk $0x1, v3  }
0x6f: {  	v3 =	vld.idx.msk [tilespmem:v7+s2+$0x0], $0xffff;
	_ =	sdelay $0x5  }
0x70: {  	v3 =	vmul.f32 v3, v1;
	_ =	sdelay $0x1  }
0x71: {  	(xrf2) =	vadd.scan.msk.f32 $0xffff, v3;
	_ =	sdelay $0x1  }
0x72: {  	v3 =	vadd.s32 $0x4E20, v4;
	_ =	sdelay $0x4  }
0x73: {  	v5 =	vld.idx.msk [tilespmem:v3+s2+$0x0], $0xffff;
	_ =	sdelay $0x2  }
0x74: {  	v6, _, _ =	vpop (xrf2)  }
0x75: {  	v6 =	vbroadcast v6, $0xF;
	_ =	sdelay $0x1  }
0x76: {  	v5 =	vadd.f32 v6, v5;
	v6 =	vadd.s32 $0x4E20, v0  }
0x77: {  	v2 =	vadd.s32 $0x7530, v2  }
0x78: {  	v4 =	vadd.s32 $0x7530, v4;
	[tilespmem:v3+s2+$0x0] =	vst.idx.msk $0x1, v5;
	v3 =	vtrunc.f32 v5  }
0x79: {  	v3 =	vcvt.f32.s32 v3;
	_ =	sdelay $0x1  }
0x7a: {  	[tilespmem:v6+s13+$0x0] =	vst.idx.msk $0x1, v3  }
0x7b: {  	v2 =	vld.idx.msk [tilespmem:v2+s2+$0x0], $0xffff  }
0x7c: {  	v3 =	vld.idx.msk [tilespmem:v4+s2+$0x0], $0xffff;
	_ =	sdelay $0x4  }
0x7d: {  	v1 =	vmul.f32 v2, v1;
	_ =	sdelay $0x1  }
0x7e: {  	(xrf2) =	vadd.scan.msk.f32 $0xffff, v1;
	_ =	sdelay $0x9  }
0x7f: {  	v1, _, _ =	vpop (xrf2)  }
0x80: {  	v1 =	vbroadcast v1, $0xF  }
.Ltmp0:
0x81: {  	(pc) =	sbr.rel @p0 .LBB2_3-.Ltmp0, $3  }
0x82: {  	v0 =	vadd.s32 $0x7530, v0;
	v1 =	vadd.f32 v1, v3;
	_ =	sdelay $0x1  }
0x83: {  	[tilespmem:v4+s2+$0x0] =	vst.idx.msk $0x1, v1;
	v1 =	vtrunc.f32 v1  }
0x84: {  	s20 =	smov.u32 s19;
	v1 =	vcvt.f32.s32 v1  }
0x85: {  	_ =	sdelay $0x3  }
0x86: {  	s18 =	sshra.s32 s18, $0x2;
	[tilespmem:v0+s13+$0x0] =	vst.idx.msk $0x1, v1  }
0x87: {  	v0 =	vld [tilespmem:s18+$0x16080];
	_ =	sdelay $0x6  }
0x88: {  	v2 =	vld [tilespmem:s18+$0x17980]  }
0x89: {  	v1 =	vld.idx.msk [tilespmem:v0+s2+$0x0], $0xffff  }
0x8a: {  	s17 =	sadd.s32 $0x1, s17  }
0x8b: {  	v3 =	vmov s17;
	_ =	sdelay $0x2  }
0x8c: {  	v1 =	vmul.f32 v1, v2;
	_ =	sdelay $0x1  }
0x8d: {  	v4 =	vld.idx.msk [tilespmem:v3+s10+$0x0], $0xffff;
	(xrf2) =	vadd.scan.msk.f32 $0xffff, v1;
	_ =	sdelay $0x7  }
0x8e: {  	v50 =	vld.idx.msk [tilespmem:v4+s2+$0x0], $0xffff;
	_ =	sdelay $0x1  }
0x8f: {  	v5, _, _ =	vpop (xrf2)  }
0x90: {  	v5 =	vbroadcast v5, $0xF;
	_ =	sdelay $0x1  }
0x91: {  	v1 =	vadd.f32 v5, v50  }
0x92: {  	v51 =	vadd.s32 $0x2710, v0  }
0x93: {  	v6 =	vtrunc.f32 v1  }
0x94: {  	v6 =	vcvt.f32.s32 v6  }
0x95: {  	[tilespmem:v4+s2+$0x0] =	vst.idx.msk $0x1, v1  }
0x96: {  	[tilespmem:v3+s13+$0x0] =	vst.idx.msk $0x1, v6  }
0x97: {  	v1 =	vld.idx.msk [tilespmem:v51+s2+$0x0], $0xffff;
	_ =	sdelay $0x4  }
0x98: {  	v1 =	vmul.f32 v1, v2;
	_ =	sdelay $0x1  }
0x99: {  	(xrf2) =	vadd.scan.msk.f32 $0xffff, v1;
	_ =	sdelay $0x2  }
0x9a: {  	v52 =	vadd.s32 $0x2710, v4;
	_ =	sdelay $0x4  }
0x9b: {  	v53 =	vld.idx.msk [tilespmem:v52+s2+$0x0], $0xffff;
	_ =	sdelay $0x1  }
0x9c: {  	v54, _, _ =	vpop (xrf2)  }
0x9d: {  	v6 =	vbroadcast v54, $0xF;
	_ =	sdelay $0x1  }
0x9e: {  	v55 =	vadd.s32 $0x2710, v3;
	v5 =	vadd.f32 v6, v53  }
0x9f: {  	v7 =	vadd.s32 $0x4E20, v0  }
0xa0: {  	v8 =	vtrunc.f32 v5  }
0xa1: {  	v8 =	vcvt.f32.s32 v8  }
0xa2: {  	[tilespmem:v52+s2+$0x0] =	vst.idx.msk $0x1, v5  }
0xa3: {  	[tilespmem:v55+s13+$0x0] =	vst.idx.msk $0x1, v8  }
0xa4: {  	v1 =	vld.idx.msk [tilespmem:v7+s2+$0x0], $0xffff;
	_ =	sdelay $0x4  }
0xa5: {  	v1 =	vmul.f32 v1, v2;
	_ =	sdelay $0x1  }
0xa6: {  	(xrf2) =	vadd.scan.msk.f32 $0xffff, v1;
	_ =	sdelay $0x2  }
0xa7: {  	v56 =	vadd.s32 $0x4E20, v4;
	_ =	sdelay $0x4  }
0xa8: {  	v5 =	vld.idx.msk [tilespmem:v56+s2+$0x0], $0xffff;
	_ =	sdelay $0x1  }
0xa9: {  	v57, _, _ =	vpop (xrf2)  }
0xaa: {  	v6 =	vbroadcast v57, $0xF;
	_ =	sdelay $0x1  }
0xab: {  	v58 =	vadd.s32 $0x4E20, v3;
	v5 =	vadd.f32 v6, v5  }
0xac: {  	v0 =	vadd.s32 $0x7530, v0  }
0xad: {  	v59 =	vtrunc.f32 v5  }
0xae: {  	v7 =	vcvt.f32.s32 v59  }
0xaf: {  	[tilespmem:v56+s2+$0x0] =	vst.idx.msk $0x1, v5  }
0xb0: {  	[tilespmem:v58+s13+$0x0] =	vst.idx.msk $0x1, v7  }
0xb1: {  	v0 =	vld.idx.msk [tilespmem:v0+s2+$0x0], $0xffff;
	_ =	sdelay $0x4  }
0xb2: {  	v0 =	vmul.f32 v0, v2;
	_ =	sdelay $0x1  }
0xb3: {  	(xrf2) =	vadd.scan.msk.f32 $0xffff, v0;
	_ =	sdelay $0x2  }
0xb4: {  	v60 =	vadd.s32 $0x7530, v4;
	_ =	sdelay $0x4  }
0xb5: {  	v1 =	vld.idx.msk [tilespmem:v60+s2+$0x0], $0xffff;
	_ =	sdelay $0x1  }
0xb6: {  	v61, _, _ =	vpop (xrf2)  }
0xb7: {  	v2 =	vbroadcast v61, $0xF  }
0xb8: {  	s16 =	sadd.s32 $0x1, s16  }
0xb9: {  	p0 =	sne.s32 s16, $0x19;
	v62 =	vadd.s32 $0x7530, v3;
	v1 =	vadd.f32 v2, v1  }
.Ltmp1:
0xba: {  	_ = 	snop;
	(pc) =	sbr.rel @p0 .LBB2_2-.Ltmp1, $4  }
0xbb: {  	v63 =	vtrunc.f32 v1  }
0xbc: {  	v3 =	vcvt.f32.s32 v63  }
0xbd: {  	[tilespmem:v60+s2+$0x0] =	vst.idx.msk $0x1, v1  }
0xbe: {  	s15 =	sadd.s32 $0x190, s15;
	[tilespmem:v62+s13+$0x0] =	vst.idx.msk $0x1, v3  }
0xbf: {  	s14 =	sadd.s32 $0x1, s14  }
0xc0: {  	p0 =	sne.s32 s14, s8  }
.Ltmp2:
0xc1: {  	_ = 	snop;
	(pc) =	sbr.rel @p0 .LBB2_1-.Ltmp2, $4  }
0xc2: {  	[hbm4b:s7+s2] =	stream.linear.scatter [tilespmem:s13], [sflag:$0x1], $0x9C40, $0x38;
	[tilespmem:$0x19280] =	vst v63  }
0xc3: {  	_ =	swait.ge [sflag:s9], $0x9C40  }
0xc4: {  	[sflag:s9] =	ssyncset.done $0x0  }
0xc5: {  	[sflag:s9] =	ssyncadd.s32 $0xFFFF63C0  }
0xc6: {  	_ =	sfence.sel $0x180000  }
0xc7: {  	[bflag:$0x0] =	sbarrier.arrive $0xFFFF  }
0xc8: {  	p0 =	sne.s32 s1, $0x0;
	_ =	strace $0x90000047  }
0xc9: {  	s0 =	sadd.s32 @!p0 $0x100000, s0;
	[bflag:$0x2] =	sbarrier.arrive $0xFFFF  }
0xca: {  	[sflag:s0] =	ssyncadd.tile.s32 @!p0 $0x1;
	_ =	shalt  }
.Lfunc_end2:
_tile_overlayer_lowered:
.L_overlay_start_2:
0xcb: {  	(tag) =	ssettag $0x2  }
0xcc: {  	s0 =	rddreg [dreg:$0x0];
	s2 =	stileid.u32  }
0xcd: {  	s1 =	rddreg [dreg:$0x1];
	p0 =	sne.s32 s2, $0x0  }
0xce: {  	s3 =	rddreg [dreg:$0x2];
	[bflag:$0x3] =	sbarrier.arrive $0xFFFF;
	s2 =	simm.s32 @!p0 $0x1C01  }
0xcf: {  	[timem:s3], [sflag:s2] =	dma.local @!p0 [hbm:s0], s1  }
0xd0: {  	s0 =	simm.s32 @!p0 $0x1  }
0xd1: {  	_ =	swait.ge @!p0 [sflag:s0], s1  }
0xd2: {  	s1 =	ssub.s32 @!p0 $0x0, s1;
	[sflag:s0] =	ssyncset.done @!p0 $0x0  }
0xd3: {  	[sflag:s0] =	ssyncadd.s32 @!p0 s1  }
0xd4: {  	[bflag:$0x3] =	sbarrier.arrive $0xFFFF  }
0xd5: {  	_ =	shalt  }

</sc_bundles>
